<compile_context>
chip_gen: v7x
topology: tpu7x:2x2x1
jax: 0.10.2.dev20260603
libtpu: 0.0.44.dev20260713+nightly
codegen_flags: <defaults>
</compile_context>

<pallas_src>
import functools

import jax
import jax.numpy as jnp
from jax import lax
from jax.experimental import pallas as pl
from jax.experimental.pallas import tpu as pltpu
from jax.experimental.pallas import tpu_sc as plsc

_EMBED_DIM = 32
_NUM_EMB = 8192
_BETA = 0.25


def _conv(x, w, b, stride, pad):
    y = lax.conv_general_dilated(
        x, w, (stride, stride), ((pad, pad), (pad, pad)),
        dimension_numbers=('NCHW', 'OIHW', 'NCHW'))
    return y + b[None, :, None, None]


def _convT(x, w, b):
    y = lax.conv_transpose(x, w, (2, 2), 'VALID',
                           dimension_numbers=('NCHW', 'OIHW', 'NCHW'))
    return y + b[None, :, None, None]


def _block(x, p):
    x = jax.nn.relu(_conv(x, p['w1'], p['b1'], 1, 1))
    x = jax.nn.relu(_conv(x, p['w2'], p['b2'], 1, 1))
    return x


def _maxpool(x):
    return lax.reduce_window(x, -jnp.inf, lax.max,
                             (1, 1, 2, 2), (1, 1, 2, 2), 'VALID')


def _argmin_kernel(n_tok, z_ref, cb_ref, idx_ref, loss_ref):
    z = z_ref[...]
    cb = cb_ref[...]
    pad = z.shape[0]
    zn = jnp.sum(z * z, axis=1, keepdims=True)
    cn = jnp.sum(cb * cb, axis=1)[None, :]
    dot = lax.dot_general(z, cb, (((1,), (1,)), ((), ())),
                          preferred_element_type=jnp.float32)
    d2 = (zn + cn) - 2.0 * dot
    d2 = jnp.maximum(d2, 0.0)
    mn = jnp.min(d2, axis=1, keepdims=True)
    lane = lax.broadcasted_iota(jnp.int32, d2.shape, 1)
    idx = jnp.min(jnp.where(d2 == mn, lane, _NUM_EMB), axis=1)
    idx_ref[...] = idx.reshape(1, pad)
    mask = (lax.broadcasted_iota(jnp.int32, (pad, 1), 0) < n_tok
            ).astype(jnp.float32)
    m = jnp.sum(mn * mask, axis=0, keepdims=True) / (n_tok * _EMBED_DIM)
    loss_ref[...] = m + _BETA * m


_SC_CORES = 1
_SC_SUBCORES = 16
_NW = _SC_CORES * _SC_SUBCORES
_BPAD = 8 * _NW
_BPW = _BPAD // _NW


def _sc_gather_body(cb_hbm, idx_hbm, out_hbm, idx_v, rows_v, sem):
    wid = lax.axis_index("s") * _SC_CORES + lax.axis_index("c")
    base = wid * _BPW
    pltpu.sync_copy(idx_hbm.at[pl.ds(base, _BPW)], idx_v)
    pltpu.async_copy(cb_hbm.at[idx_v], rows_v, sem).wait()
    pltpu.sync_copy(rows_v, out_hbm.at[pl.ds(base, _BPW)])


@functools.cache
def _sc_gather_kernel():
    return pl.kernel(
        _sc_gather_body,
        out_type=jax.ShapeDtypeStruct((_BPAD, _EMBED_DIM), jnp.float32),
        mesh=plsc.VectorSubcoreMesh(core_axis_name="c", subcore_axis_name="s",
                                    num_cores=_SC_CORES,
                                    num_subcores=_SC_SUBCORES),
        compiler_params=pltpu.CompilerParams(use_tc_tiling_on_sc=False),
        scratch_types=[
            pltpu.VMEM((_BPW,), jnp.int32),
            pltpu.VMEM((_BPW, _EMBED_DIM), jnp.float32),
            pltpu.SemaphoreType.DMA,
        ],
    )


def _vq(z_flat, cb):
    n_tok = z_flat.shape[0]
    padded = max(_BPAD, -(-n_tok // 8) * 8)
    zp = jnp.pad(z_flat, ((0, padded - n_tok), (0, 0)))
    idx, loss = pl.pallas_call(
        functools.partial(_argmin_kernel, n_tok),
        out_shape=(jax.ShapeDtypeStruct((1, padded), jnp.int32),
                   jax.ShapeDtypeStruct((1, 1), jnp.float32)),
    )(zp, cb)
    zq_pad = _sc_gather_kernel()(cb, idx.reshape(padded))
    return zq_pad[:n_tok], loss[0, 0]


def kernel(x, params):
    h = x
    for p in params['enc']:
        h = _maxpool(_block(h, p))
    z_e = _conv(h, params['pre_w'], params['pre_b'], 1, 0)
    B, C, H, W = z_e.shape
    z_e_flat = jnp.transpose(z_e, (0, 2, 3, 1)).reshape(B * H * W, C)
    z_q, q_loss = _vq(z_e_flat, params['codebook'])
    latent = jnp.transpose(z_q.reshape(B, H, W, C), (0, 3, 1, 2))
    z = _conv(latent, params['post_w'], params['post_b'], 1, 0)
    for p in params['dec']:
        z = _block(_convT(z, p['wt'], p['bt']), p)
    x_reconst = jnp.tanh(_convT(z, params['dec_final_w'],
                                params['dec_final_b']))
    return (x_reconst, latent, q_loss)

# --- scband reference (transcript-rebuilt; emitter-appended) ---
"""Pipeline reference for scband-vqvae-70403103916771 (READ-ONLY COPY).

The authoritative reference and input builder live on the scoring server;
editing this copy changes nothing except your own understanding.
"""

import jax, jax.numpy as jnp
import numpy as np

EMBED_DIM = 32
NUM_EMB = 8192
BETA = 0.25


def _conv(x, w, b, stride, pad):
    y = jax.lax.conv_general_dilated(x, w, (stride, stride), ((pad, pad), (pad, pad)), dimension_numbers=('NCHW', 'OIHW', 'NCHW'))
    return y + b[None, :, None, None]


def _convT(x, w, b):
    y = jax.lax.conv_transpose(x, w, (2, 2), 'VALID', dimension_numbers=('NCHW', 'OIHW', 'NCHW'))
    return y + b[None, :, None, None]


def _block(x, p):
    x = jax.nn.relu(_conv(x, p['w1'], p['b1'], 1, 1))
    x = jax.nn.relu(_conv(x, p['w2'], p['b2'], 1, 1))
    return x


def _maxpool(x):
    return jax.lax.reduce_window(x, -jnp.inf, jax.lax.max, (1, 1, 2, 2), (1, 1, 2, 2), 'VALID')


def setup_inputs(seed: int = 0):
    key = jax.random.key(seed)
    keys = iter(jax.random.split(key, 80))

    def cw(o, i, kh, kw):
        return jax.random.normal(next(keys), (o, i, kh, kw), jnp.float32) * np.float32(np.sqrt(2.0 / (i * kh * kw)))

    enc = []
    for (i, o) in [(3, 64), (64, 128), (128, 256), (256, 512), (512, 1024)]:
        enc.append({'w1': cw(o, i, 3, 3), 'b1': jnp.zeros((o,), jnp.float32), 'w2': cw(o, o, 3, 3), 'b2': jnp.zeros((o,), jnp.float32)})
    dec = []
    for (i, o) in [(1024, 512), (512, 256), (256, 128), (128, 64)]:
        dec.append({'wt': cw(o, i, 2, 2), 'bt': jnp.zeros((o,), jnp.float32), 'w1': cw(o, o, 3, 3), 'b1': jnp.zeros((o,), jnp.float32), 'w2': cw(o, o, 3, 3), 'b2': jnp.zeros((o,), jnp.float32)})
    params = {
        'enc': enc,
        'dec': dec,
        'dec_final_w': cw(3, 64, 2, 2),
        'dec_final_b': jnp.zeros((3,), jnp.float32),
        'pre_w': cw(EMBED_DIM, 1024, 1, 1),
        'pre_b': jnp.zeros((EMBED_DIM,), jnp.float32),
        'post_w': cw(1024, EMBED_DIM, 1, 1),
        'post_b': jnp.zeros((1024,), jnp.float32),
        'codebook': jax.random.normal(next(keys), (NUM_EMB, EMBED_DIM), jnp.float32),
    }
    x = jax.random.normal(next(keys), (2, 3, 224, 224), jnp.float32)
    return {'x': x, 'params': params}


def _forward(x, params):
    h = x
    for p in params['enc']:
        h = _maxpool(_block(h, p))
    z_e = _conv(h, params['pre_w'], params['pre_b'], 1, 0)
    B, C, H, W = z_e.shape
    z_e_flat = jnp.transpose(z_e, (0, 2, 3, 1)).reshape(B, H * W, C)
    cb = params['codebook']
    zn = jnp.sum(z_e_flat ** 2, axis=-1, keepdims=True)
    cn = jnp.sum(cb ** 2, axis=-1)
    d2 = zn + cn[None, None, :] - 2.0 * jnp.einsum('bnc,kc->bnk', z_e_flat, cb)
    distances = jnp.sqrt(jnp.maximum(d2, 0.0))
    idx = jnp.argmin(jax.lax.stop_gradient(distances), axis=-1)
    z_q = jnp.take(cb, idx.reshape(-1), axis=0)
    z_e2 = z_e_flat.reshape(-1, C)
    commitment_loss = jnp.mean((jax.lax.stop_gradient(z_q) - z_e2) ** 2)
    codebook_loss = jnp.mean((z_q - jax.lax.stop_gradient(z_e2)) ** 2)
    q_loss = codebook_loss + BETA * commitment_loss
    z_q_st = z_e2 + jax.lax.stop_gradient(z_q - z_e2)
    latent = jnp.transpose(z_q_st.reshape(B, H, W, C), (0, 3, 1, 2))
    z = _conv(latent, params['post_w'], params['post_b'], 1, 0)
    for p in params['dec']:
        z = _block(_convT(z, p['wt'], p['bt']), p)
    x_reconst = jnp.tanh(_convT(z, params['dec_final_w'], params['dec_final_b']))
    return (x_reconst, latent, q_loss)


def reference(x, params):
    return _forward(x, params)

if __name__ == "__main__":
    import jax
    _d = setup_inputs()
    print(jax.jit(kernel)(*tuple(_d.values())))

</pallas_src>

<mosaic_0001>
#map = affine_map<(d0, d1) -> (0, 0)>
#map1 = affine_map<(d0, d1) -> (0)>
module attributes {stable_mosaic.version = 14 : i64} {
  func.func @_sc_gather_body(%arg0: i32, %arg1: i32, %arg2: memref<8192x32xf32, #tpu.memory_space<hbm>>, %arg3: memref<128xi32, #tpu.memory_space<hbm>>, %arg4: memref<128x32xf32, #tpu.memory_space<hbm>>, %arg5: memref<8xi32, #tpu.memory_space<vmem>>, %arg6: memref<8x32xf32, #tpu.memory_space<vmem>>, %arg7: memref<!tpu.dma_semaphore, #tpu.memory_space<semaphore_mem>>) attributes {dimension_semantics = [#tpu.dimension_semantics<core_parallel>, #tpu.dimension_semantics<subcore_parallel>], iteration_bounds = array<i64: 1, 16>, scalar_prefetch = 0 : i64, scratch_operands = 3 : i64, tpu.core_type = #tpu.core_type<sc_vector_subcore>, window_params = [{transform_indices = #map}, {transform_indices = #map1}, {transform_indices = #map}]} {
    %mul3A = arith.constant 1 : i32
    %mul3A_0 = arith.muli %arg1, %mul3A : i32
    %add3A = arith.addi %mul3A_0, %arg0 : i32
    %mul3A_1 = arith.constant 8 : i32
    %mul3A_2 = arith.muli %add3A, %mul3A_1 : i32
    "tpu.region"() ({
      %run_scoped3A = tpu.sem_alloc : memref<!tpu.dma_semaphore, #tpu.memory_space<semaphore_mem>>
      %dma_start3A_7 = tpu.memref_slice %arg3[%mul3A_2] : memref<128xi32, #tpu.memory_space<hbm>> -> memref<8xi32, #tpu.memory_space<hbm>>
      %dma_start3A_8 = tpu.memref_slice %arg3[%mul3A_2] : memref<128xi32, #tpu.memory_space<hbm>> -> memref<8xi32, #tpu.memory_space<hbm>>
      tpu.enqueue_dma source(%dma_start3A_8 : memref<8xi32, #tpu.memory_space<hbm>>) target(%arg5 : memref<8xi32, #tpu.memory_space<vmem>>) target_semaphore(%run_scoped3A : memref<!tpu.dma_semaphore, #tpu.memory_space<semaphore_mem>>)
      %dma_wait3A_9 = tpu.memref_slice %arg3[%mul3A_2] : memref<128xi32, #tpu.memory_space<hbm>> -> memref<8xi32, #tpu.memory_space<hbm>>
      %dma_wait3A_10 = tpu.memref_slice %arg3[%mul3A_2] : memref<128xi32, #tpu.memory_space<hbm>> -> memref<8xi32, #tpu.memory_space<hbm>>
      tpu.wait_dma2 semaphore(%run_scoped3A : memref<!tpu.dma_semaphore, #tpu.memory_space<semaphore_mem>>) src(%dma_wait3A_10 : memref<8xi32, #tpu.memory_space<hbm>>) dst(%arg5 : memref<8xi32, #tpu.memory_space<vmem>>)
      tpu.yield
    }) : () -> ()
    %dma_start3A = arith.constant 0 : i32
    %dma_start3A_3 = arith.constant 0 : i32
    %dma_start3A_4 = tpu.memref_slice %arg2[%dma_start3A, %dma_start3A_3] : memref<8192x32xf32, #tpu.memory_space<hbm>> -> memref<8192x32xf32, #tpu.memory_space<hbm>>
    tpu.enqueue_indirect_dma source(%dma_start3A_4 : memref<8192x32xf32, #tpu.memory_space<hbm>>) target(%arg6 : memref<8x32xf32, #tpu.memory_space<vmem>>) offsets(%arg5 : memref<8xi32, #tpu.memory_space<vmem>>) semaphore(%arg7 : memref<!tpu.dma_semaphore, #tpu.memory_space<semaphore_mem>>)
    %dma_wait3A = arith.constant 0 : i32
    %dma_wait3A_5 = arith.constant 0 : i32
    %dma_wait3A_6 = tpu.memref_slice %arg2[%dma_wait3A, %dma_wait3A_5] : memref<8192x32xf32, #tpu.memory_space<hbm>> -> memref<8192x32xf32, #tpu.memory_space<hbm>>
    tpu.wait_indirect_dma semaphore(%arg7 : memref<!tpu.dma_semaphore, #tpu.memory_space<semaphore_mem>>) src(%dma_wait3A_6 : memref<8192x32xf32, #tpu.memory_space<hbm>>) dst(%arg6 : memref<8x32xf32, #tpu.memory_space<vmem>>)
    "tpu.region"() ({
      %run_scoped3A = tpu.sem_alloc : memref<!tpu.dma_semaphore, #tpu.memory_space<semaphore_mem>>
      %dma_start3A_7 = arith.constant 0 : i32
      %dma_start3A_8 = tpu.memref_slice %arg4[%mul3A_2, %dma_start3A_7] : memref<128x32xf32, #tpu.memory_space<hbm>> -> memref<8x32xf32, #tpu.memory_space<hbm>>
      %dma_start3A_9 = arith.constant 0 : i32
      %dma_start3A_10 = tpu.memref_slice %arg4[%mul3A_2, %dma_start3A_9] : memref<128x32xf32, #tpu.memory_space<hbm>> -> memref<8x32xf32, #tpu.memory_space<hbm>>
      tpu.enqueue_dma source(%arg6 : memref<8x32xf32, #tpu.memory_space<vmem>>) target(%dma_start3A_10 : memref<8x32xf32, #tpu.memory_space<hbm>>) target_semaphore(%run_scoped3A : memref<!tpu.dma_semaphore, #tpu.memory_space<semaphore_mem>>)
      %dma_wait3A_11 = arith.constant 0 : i32
      %dma_wait3A_12 = tpu.memref_slice %arg4[%mul3A_2, %dma_wait3A_11] : memref<128x32xf32, #tpu.memory_space<hbm>> -> memref<8x32xf32, #tpu.memory_space<hbm>>
      %dma_wait3A_13 = arith.constant 0 : i32
      %dma_wait3A_14 = tpu.memref_slice %arg4[%mul3A_2, %dma_wait3A_13] : memref<128x32xf32, #tpu.memory_space<hbm>> -> memref<8x32xf32, #tpu.memory_space<hbm>>
      tpu.wait_dma2 semaphore(%run_scoped3A : memref<!tpu.dma_semaphore, #tpu.memory_space<semaphore_mem>>) src(%arg6 : memref<8x32xf32, #tpu.memory_space<vmem>>) dst(%dma_wait3A_14 : memref<8x32xf32, #tpu.memory_space<hbm>>)
      tpu.yield
    }) : () -> ()
    return
  }
}

module attributes {stable_mosaic.version = 14 : i64} {
  func.func @_argmin_kernel(%arg0: memref<128x32xf32, #tpu.memory_space<vmem>>, %arg1: memref<8192x32xf32, #tpu.memory_space<vmem>>, %arg2: memref<1x128xi32, #tpu.memory_space<vmem>>, %arg3: memref<1x1xf32, #tpu.memory_space<vmem>>) attributes {dimension_semantics = [], scalar_prefetch = 0 : i64, scratch_operands = 0 : i64, tpu.core_type = #tpu.core_type<tc>} {
    %get3A = arith.constant 0 : index
    %get3A_0 = arith.constant 0 : index
    %get3A_1 = vector.load %arg0[%get3A, %get3A_0] : memref<128x32xf32, #tpu.memory_space<vmem>>, vector<128x32xf32>
    %get3A_2 = arith.constant 0 : index
    %get3A_3 = arith.constant 0 : index
    %get3A_4 = vector.load %arg1[%get3A_2, %get3A_3] : memref<8192x32xf32, #tpu.memory_space<vmem>>, vector<8192x32xf32>
    %mul3A = arith.mulf %get3A_1, %get3A_1 : vector<128x32xf32>
    %reduce_sum3A = arith.constant dense<0.000000e+00> : vector<128xf32>
    %reduce_sum3A_5 = vector.multi_reduction <add>, %mul3A, %reduce_sum3A [1] : vector<128x32xf32> to vector<128xf32>
    %broadcast_in_dim3A = vector.shape_cast %reduce_sum3A_5 : vector<128xf32> to vector<128x1xf32>
    %mul3A_6 = arith.mulf %get3A_4, %get3A_4 : vector<8192x32xf32>
    %reduce_sum3A_7 = arith.constant dense<0.000000e+00> : vector<8192xf32>
    %reduce_sum3A_8 = vector.multi_reduction <add>, %mul3A_6, %reduce_sum3A_7 [1] : vector<8192x32xf32> to vector<8192xf32>
    %broadcast_in_dim3A_9 = vector.shape_cast %reduce_sum3A_8 : vector<8192xf32> to vector<1x8192xf32>
    %dot_general3A = arith.constant dense<0.000000e+00> : vector<128x8192xf32>
    %dot_general3A_10 = tpu.matmul %get3A_1, %get3A_4, %dot_general3A {dimension_numbers = #tpu.dot_dimension_numbers<[1], [1], [0], [0], [0, 0, 1, 0], [], []>, transpose_lhs_hint = false} : vector<128x32xf32>, vector<8192x32xf32>, vector<128x8192xf32> -> vector<128x8192xf32>
    %add3A = vector.broadcast %broadcast_in_dim3A : vector<128x1xf32> to vector<128x8192xf32>
    %add3A_11 = vector.broadcast %broadcast_in_dim3A_9 : vector<1x8192xf32> to vector<128x8192xf32>
    %add3A_12 = arith.addf %add3A, %add3A_11 : vector<128x8192xf32>
    %mul3A_13 = arith.constant 2.000000e+00 : f32
    %mul3A_14 = vector.broadcast %mul3A_13 : f32 to vector<128x8192xf32>
    %mul3A_15 = arith.mulf %mul3A_14, %dot_general3A_10 : vector<128x8192xf32>
    %sub3A = arith.subf %add3A_12, %mul3A_15 : vector<128x8192xf32>
    %max3A = arith.constant 0.000000e+00 : f32
    %max3A_16 = vector.broadcast %max3A : f32 to vector<128x8192xf32>
    %max3A_17 = arith.maximumf %sub3A, %max3A_16 : vector<128x8192xf32>
    %reduce_min3A = arith.constant dense<0x7F800000> : vector<128xf32>
    %reduce_min3A_18 = vector.multi_reduction <minimumf>, %max3A_17, %reduce_min3A [1] : vector<128x8192xf32> to vector<128xf32>
    %broadcast_in_dim3A_19 = vector.shape_cast %reduce_min3A_18 : vector<128xf32> to vector<128x1xf32>
    %iota3A = tpu.iota {dimensions = array<i32: 1>} : vector<128x8192xi32>
    %eq3A = vector.broadcast %broadcast_in_dim3A_19 : vector<128x1xf32> to vector<128x8192xf32>
    %eq3A_20 = arith.cmpf oeq, %max3A_17, %eq3A : vector<128x8192xf32>
    %jit3A = arith.constant 8192 : i32
    %broadcast_in_dim3A_21 = vector.broadcast %jit3A : i32 to vector<128x8192xi32>
    %select_n3A = arith.select %eq3A_20, %iota3A, %broadcast_in_dim3A_21 : vector<128x8192xi1>, vector<128x8192xi32>
    %reduce_min3A_22 = arith.constant dense<2147483647> : vector<128xi32>
    %reduce_min3A_23 = vector.multi_reduction <minsi>, %select_n3A, %reduce_min3A_22 [1] : vector<128x8192xi32> to vector<128xi32>
    %reshape3A = vector.shape_cast %reduce_min3A_23 : vector<128xi32> to vector<1x128xi32>
    %swap3A = arith.constant 0 : index
    %swap3A_24 = arith.constant 0 : index
    %swap3A_25 = vector.load %arg2[%swap3A, %swap3A_24] : memref<1x128xi32, #tpu.memory_space<vmem>>, vector<1x128xi32>
    tpu.vector_store %arg2[%swap3A, %swap3A_24], %reshape3A {strides = array<i32>} : memref<1x128xi32, #tpu.memory_space<vmem>>, vector<1x128xi32>,
    %iota3A_26 = tpu.iota {dimensions = array<i32: 0>} : vector<128x1xi32>
    %lt3A = arith.constant 98 : i32
    %lt3A_27 = vector.broadcast %lt3A : i32 to vector<128x1xi32>
    %lt3A_28 = arith.cmpi slt, %iota3A_26, %lt3A_27 : vector<128x1xi32>
    %convert_element_type3A = arith.extui %lt3A_28 : vector<128x1xi1> to vector<128x1xi32>
    %convert_element_type3A_29 = arith.sitofp %convert_element_type3A : vector<128x1xi32> to vector<128x1xf32>
    %mul3A_30 = arith.mulf %broadcast_in_dim3A_19, %convert_element_type3A_29 : vector<128x1xf32>
    %reduce_sum3A_31 = arith.constant dense<0.000000e+00> : vector<1xf32>
    %reduce_sum3A_32 = vector.multi_reduction <add>, %mul3A_30, %reduce_sum3A_31 [0] : vector<128x1xf32> to vector<1xf32>
    %broadcast_in_dim3A_33 = vector.shape_cast %reduce_sum3A_32 : vector<1xf32> to vector<1x1xf32>
    %div3A = arith.constant 3.136000e+03 : f32
    %div3A_34 = vector.broadcast %div3A : f32 to vector<1x1xf32>
    %div3A_35 = arith.divf %broadcast_in_dim3A_33, %div3A_34 : vector<1x1xf32>
    %mul3A_36 = arith.constant 2.500000e-01 : f32
    %mul3A_37 = vector.broadcast %mul3A_36 : f32 to vector<1x1xf32>
    %mul3A_38 = arith.mulf %mul3A_37, %div3A_35 : vector<1x1xf32>
    %add3A_39 = arith.addf %div3A_35, %mul3A_38 : vector<1x1xf32>
    %swap3A_40 = arith.constant 0 : index
    %swap3A_41 = arith.constant 0 : index
    %swap3A_42 = vector.load %arg3[%swap3A_40, %swap3A_41] : memref<1x1xf32, #tpu.memory_space<vmem>>, vector<1x1xf32>
    tpu.vector_store %arg3[%swap3A_40, %swap3A_41], %add3A_39 {strides = array<i32>} : memref<1x1xf32, #tpu.memory_space<vmem>>, vector<1x1xf32>,
    return
  }
}

</mosaic_0001>

<sc_bundles>
// kernel: kernel.4.cloned.1.call-start
scs
__scs_entry_jumppad:
0x0: {  	(pc) =	sbr.rel $0x88, $3  }
0x1: {  	(tag) =	ssettag $0x0;
	lr =	simm.s32 $0x1  }
0x2: {  	[smem:$0x3F6D] =	sst lr;
	_ =	strace $0xD0000000  }
0x3: {  	_ = 	snop  }
0x4: {  	_ = 	snop  }
0x5: {  	_ = 	snop  }
0x6: {  	_ = 	snop  }
0x7: {  	_ = 	snop  }
__scs_overlays_trampoline_lowered:
0x8: {  	[smem:$0x3F7C] =	sst s0  }
0x9: {  	[smem:$0x3F7D] =	sst s1  }
0xa: {  	[smem:$0x3F7E] =	sst s2  }
0xb: {  	[smem:$0x3F7F] =	sst s3  }
0xc: {  	[smem:$0x3F80] =	sst s4  }
0xd: {  	[smem:$0x3F81] =	sst s5  }
0xe: {  	[smem:$0x3F82] =	sst s6  }
0xf: {  	[smem:$0x3F83] =	sst s7  }
0x10: {  	[smem:$0x3F84] =	sst s8  }
0x11: {  	[smem:$0x3F85] =	sst s9;
	s0 =	simm.s32 @!p0 $0x0  }
0x12: {  	s1 =	sld [smem:$0x3F6B];
	s0 =	simm.s32 @p0 $0x1  }
0x13: {  	[smem:$0x3F86] =	sst s0;
	s0 =	simm.s32 @!p1 $0x0  }
0x14: {  	s2 =	sld [smem:$0x3F6A];
	s0 =	simm.s32 @p1 $0x1  }
0x15: {  	[smem:$0x3F87] =	sst s0;
	s0 =	simm.s32 @!p2 $0x0  }
0x16: {  	s3 =	sld [smem:$0x3FDB];
	s0 =	simm.s32 @p2 $0x1  }
0x17: {  	s4 =	simm.s32 $0x1BF5;
	[smem:$0x3F89] =	sst s0  }
0x18: {  	s0 =	sld [smem:$0x3F6C];
	_ =	swait.ge [sflag:s4], $0x0  }
0x19: {  	s7 =	sld [smem:$0x3F6D]  }
0x1a: {  	s8 =	sadd.s32 $0xFFFFE003, lr  }
0x1b: {  	s9 =	sadd.s32 $0xFFFFFEF7, lr;
	s5 =	simm.s32 $0xFFFFFFFF;
	p2 =	slt.u32 s8, $0xFFFFF086  }
0x1c: {  	p1 =	slt.u32 s9, $0xF7A;
	s5 =	simm.s32 @!p2 $0x0  }
0x1d: {  	s5 =	simm.s32 @p1 $0x1;
	p0 =	seq.s32 s7, s2  }
0x1e: {  	s7 =	smul.u32 @!p0 $0xF7A, s2;
	p2 =	seq.s32 @!p0 s5, $0x0  }
0x1f: {  	s9 =	smul.u32 $0xF7A, s1;
	s8 =	simm.s32 @!p0 $0x1BF5;
	p2 =	por !p2, p0  }
0x20: {  	[sflag:s8] =	ssyncset.s32 @!p0 $0xFFFFF086;
	s6 =	sadd.s32 @!p0 s3, s7;
	s7 =	simm.s32 @!p0 $0x108  }
0x21: {  	s3 =	sadd.s32 s3, s9;
	s6 =	sadd.s32 @!p0 $0x88, s6;
	s7 =	simm.s32 @p2 $0x1082  }
0x22: {  	[simem:s7], [sflag:s8] =	dma.local @!p0 [hbm:s6], $0xF7A  }
0x23: {  	s9 =	sor.u32 $0xD0000000, s2;
	s6 =	simm.s32 $0x108;
	_ =	swait.ge @!p0 [sflag:s8], $0x0  }
0x24: {  	s3 =	sadd.s32 $0x88, s3;
	s6 =	simm.s32 @!p1 $0x1082;
	[sflag:s4] =	ssyncset.s32 $0xFFFFF086  }
0x25: {  	[simem:s6], [sflag:s4] =	dma.local [hbm:s3], $0xF7A  }
0x26: {  	[smem:$0x3F6D] =	sst s1;
	(tag) =	ssettag s2;
	_ =	strace s9  }
0x27: {  	s1 =	sld [smem:$0x3F7D]  }
0x28: {  	s2 =	sld [smem:$0x3F7E]  }
0x29: {  	s4 =	sld [smem:$0x3F80]  }
0x2a: {  	p0 =	seq.s32 s5, $0x0;
	s5 =	sld [smem:$0x3F81]  }
0x2b: {  	s6 =	sld [smem:$0x3F82]  }
0x2c: {  	s7 =	sld [smem:$0x3F83]  }
0x2d: {  	s3 =	simm.s32 $0x108;
	s8 =	sld [smem:$0x3F84]  }
0x2e: {  	s3 =	simm.s32 @!p0 $0x1082;
	s9 =	sld [smem:$0x3F85]  }
0x2f: {  	lr =	sadd.s32 s0, s3;
	s0 =	sld [smem:$0x3F7C]  }
0x30: {  	s3 =	sld [smem:$0x3F7F]  }
0x31: {  	[smem:$0x3F88] =	sst s10  }
0x32: {  	s10 =	sld [smem:$0x3F86];
	_ =	sdelay $0x3  }
0x33: {  	p0 =	seq.s32 s10, $0x1;
	s10 =	sld [smem:$0x3F88];
	_ =	sdelay $0x3  }
0x34: {  	[smem:$0x3F88] =	sst s10  }
0x35: {  	s10 =	sld [smem:$0x3F87];
	_ =	sdelay $0x3  }
0x36: {  	p1 =	seq.s32 s10, $0x1;
	s10 =	sld [smem:$0x3F88];
	_ =	sdelay $0x3  }
0x37: {  	[smem:$0x3F88] =	sst s10  }
0x38: {  	s10 =	sld [smem:$0x3F89]  }
0x39: {  	_ = 	snop;
	(pc) =	sbr.ind lr, $3  }
0x3a: {  	_ = 	snop  }
0x3b: {  	_ = 	snop  }
0x3c: {  	p2 =	seq.s32 s10, $0x1;
	s10 =	sld [smem:$0x3F88]  }
0x3d: {  	_ =	shalt  }
0x3e: {  	_ =	shalt  }
0x3f: {  	_ =	shalt  }
0x40: {  	_ =	shalt  }
0x41: {  	_ =	shalt  }
0x42: {  	_ =	shalt  }
0x43: {  	_ =	shalt  }
0x44: {  	_ =	shalt  }
0x45: {  	_ =	shalt  }
0x46: {  	_ =	shalt  }
0x47: {  	_ =	shalt  }
0x48: {  	_ =	shalt  }
0x49: {  	_ =	shalt  }
0x4a: {  	_ =	shalt  }
0x4b: {  	_ =	shalt  }
0x4c: {  	_ =	shalt  }
0x4d: {  	_ =	shalt  }
0x4e: {  	_ =	shalt  }
0x4f: {  	_ =	shalt  }
0x50: {  	_ =	shalt  }
0x51: {  	_ =	shalt  }
0x52: {  	_ =	shalt  }
0x53: {  	_ =	shalt  }
0x54: {  	_ =	shalt  }
0x55: {  	_ =	shalt  }
0x56: {  	_ =	shalt  }
0x57: {  	_ =	shalt  }
0x58: {  	_ =	shalt  }
0x59: {  	_ =	shalt  }
0x5a: {  	_ =	shalt  }
0x5b: {  	_ =	shalt  }
0x5c: {  	_ =	shalt  }
0x5d: {  	_ =	shalt  }
0x5e: {  	_ =	shalt  }
0x5f: {  	_ =	shalt  }
0x60: {  	_ =	shalt  }
0x61: {  	_ =	shalt  }
0x62: {  	_ =	shalt  }
0x63: {  	_ =	shalt  }
0x64: {  	_ =	shalt  }
0x65: {  	_ =	shalt  }
0x66: {  	_ =	shalt  }
0x67: {  	_ =	shalt  }
0x68: {  	_ =	shalt  }
0x69: {  	_ =	shalt  }
0x6a: {  	_ =	shalt  }
0x6b: {  	_ =	shalt  }
0x6c: {  	_ =	shalt  }
0x6d: {  	_ =	shalt  }
0x6e: {  	_ =	shalt  }
0x6f: {  	_ =	shalt  }
0x70: {  	_ =	shalt  }
0x71: {  	_ =	shalt  }
0x72: {  	_ =	shalt  }
0x73: {  	_ =	shalt  }
0x74: {  	_ =	shalt  }
0x75: {  	_ =	shalt  }
0x76: {  	_ =	shalt  }
0x77: {  	_ =	shalt  }
0x78: {  	_ =	shalt  }
0x79: {  	_ =	shalt  }
0x7a: {  	_ =	shalt  }
0x7b: {  	_ =	shalt  }
0x7c: {  	_ =	shalt  }
0x7d: {  	_ =	shalt  }
0x7e: {  	_ =	shalt  }
0x7f: {  	_ =	shalt  }
0x80: {  	_ =	shalt  }
0x81: {  	_ =	shalt  }
0x82: {  	_ =	shalt  }
0x83: {  	_ =	shalt  }
0x84: {  	_ =	shalt  }
0x85: {  	_ =	shalt  }
0x86: {  	_ =	shalt  }
0x87: {  	_ =	shalt  }
.Lfunc_end0:
.L_simem_size_0:
called_computation_lowered:
.L_overlay_start_0:
0x88: {  	s0 =	sld [smem:$0x3FD9]  }
0x89: {  	s1 =	sld [smem:$0x3FFE];
	_ =	sdelay $0x3  }
0x8a: {  	s0 =	sadd.s32 s1, s0  }
0x8b: {  	[smem:$0x3F94] =	sst s0  }
0x8c: {  	_ = 	snop  }
0x8d: {  	s0 =	sld [smem:$0x3FD0];
	_ =	sdelay $0x2  }
0x8e: {  	s13 =	simm.s32 $0xA;
	s2 =	simm.s32 $0x10  }
0x8f: {  	[smem:s2], [sflag:s13] =	dma.local [hbm:s0], $0x1  }
0x90: {  	_ =	swait.eq [sflag:s13], $0x1  }
0x91: {  	[sflag:s13] =	ssyncset.done $0x0  }
0x92: {  	s14 =	sld [smem:$0x10];
	[sflag:s13] =	ssyncadd.s32 $0xFFFFFFFF  }
0x93: {  	s15 =	sld [smem:$0x11];
	(tm) =	ssettm $0x1  }
0x94: {  	s16 =	sld [smem:$0x3FFB];
	_ =	sdelay $0x3  }
0x95: {  	_ =	strace s16  }
0x96: {  	s2 =	sld [smem:$0x3FFC];
	_ =	sdelay $0x3  }
0x97: {  	_ =	strace s2  }
0x98: {  	s2 =	sld [smem:$0x3FFD];
	_ =	sdelay $0x3  }
0x99: {  	_ =	strace s2  }
0x9a: {  	_ =	strace $0x8FFFFFFF  }
0x9b: {  	s17 =	sld [smem:$0x3FDB];
	_ =	sdelay $0x1  }
0x9c: {  	s3 =	simm.s32 $_scs_section_size  }
0x9d: {  	s4 =	simm.s32 $_size__tile_overlayer_lowered;
	s5 =	simm.s32 $_tile_overlayer_lowered  }
0x9e: {  	s20 =	simm.s32 $0x1BFF;
	s19 =	sshll.u32 s5, $0x1;
	s2 =	sadd.s32 s3, s17  }
0x9f: {  	s6 =	simm.s32 $0x0;
	s18 =	sshll.u32 s4, $0x1;
	s4 =	sadd.s32 s19, s2  }
0xa0: {  	[timem:s6], [sflag:s20] =	dma.local [hbm:s4], s18  }
0xa1: {  	_ =	swait.ge [sflag:s20], s18  }
0xa2: {  	s3 =	ssub.s32 $0x0, s18;
	[sflag:s20] =	ssyncset.done $0x0  }
0xa3: {  	[sflag:s20] =	ssyncadd.s32 s3;
	_ =	sdelay $0x1  }
0xa4: {  	s21 =	simm.s32 $0x1B8B  }
0xa5: {  	_ =	swait.ge [sflag:s21], $0x1  }
0xa6: {  	[sflag:s21] =	ssyncset.done $0x0  }
0xa7: {  	s23 =	simm.s32 $0x1B8E;
	s22 =	sld [smem:$0x3FFE];
	[sflag:s21] =	ssyncadd.s32 $0xFFFFFFFF  }
0xa8: {  	s24 =	simm.s32 $execute0_lowered;
	[smem:$0x3FD2] =	sst s23  }
0xa9: {  	s4 =	sshll.u32 s24, $0x1;
	_ =	strace $0x80000046;
	[dreg:$0x1] =	wrdreg $0xFFFFFFFF  }
0xaa: {  	s25 =	simm.s32 $_size_execute0_lowered;
	s2 =	sadd.s32 s2, s4;
	[dreg:$0x0] =	wrdreg $0x0  }
0xab: {  	s4 =	sshll.u32 s25, $0x1;
	[dreg:$0x2] =	wrdreg s2  }
0xac: {  	[dreg:$0x3] =	wrdreg s4  }
0xad: {  	[dreg:$0x4] =	wrdreg $0xC0  }
0xae: {  	_ =	task [dreg:s6], $0x5FFFF  }
0xaf: {  	[dreg:$0x1] =	wrdreg $0xFFFFFFFF  }
0xb0: {  	[dreg:$0x0] =	wrdreg $0x60  }
0xb1: {  	[dreg:$0x2] =	wrdreg s14  }
0xb2: {  	[dreg:$0x3] =	wrdreg s22  }
0xb3: {  	[dreg:$0x4] =	wrdreg s15  }
0xb4: {  	[dreg:$0x5] =	wrdreg $0x9  }
0xb5: {  	_ =	task.clear_ibuf [dreg:s6], $0x6FFFF;
	_ =	strace $0x90000046  }
0xb6: {  	s26 =	simm.s32 $0x9;
	_ =	strace $0x80000048  }
0xb7: {  	_ =	swait.ge [sflag:s26], $0x1  }
0xb8: {  	[sflag:s26] =	ssyncadd.s32 $0xFFFFFFFF  }
0xb9: {  	_ =	strace $0x90000048  }
0xba: {  	_ =	sfence  }
0xbb: {  	s28 =	sld [smem:$0x0];
	_ =	sdelay $0x1  }
0xbc: {  	s29 =	srdreg.scid  }
0xbd: {  	s30 =	sshll.u32 s29, $0xD;
	s31 =	sshrl.u32 s29, $0x2  }
0xbe: {  	s1 =	sand.u32 $0x1, s29;
	s2 =	sand.u32 $0x4000, s30;
	s0 =	sadd.s32 s31, s28  }
0xbf: {  	s1 =	sor.u32 s2, s1;
	s0 =	sshll.u32 s0, $0x11  }
0xc0: {  	s0 =	sor.u32 s0, s1  }
0xc1: {  	s0 =	sadd.s32 $0x8F2B, s0  }
0xc2: {  	[sflag:s0] =	ssyncadd.remote.s32 $0x1  }
0xc3: {  	_ =	sfence.sel $0xFFFF  }
0xc4: {  	[dreg:$0x0] =	wrdreg $0xFFFFFFFF;
	(pc) =	sbr.abs _section_cstart, $3  }
0xc5: {  	[dreg:$0x1] =	wrdreg $0xFFFFFFFF  }
0xc6: {  	_ =	task.clear_ibuf [dreg:s6], $0x2FFFF;
	_ =	strace $0x9FFFFFFF  }
0xc7: {  	(tm) =	ssettm $0x7FFFFFFF  }
tec
execute0_lowered:
.L_overlay_start_1:
0x0: {  	(tag) =	ssettag $0x1  }
0x1: {  	s0 =	rddreg [dreg:$0x0]  }
0x2: {  	s1 =	rddreg [dreg:$0x1]  }
0x3: {  	s2 =	rddreg [dreg:$0x2]  }
0x4: {  	s3 =	rddreg [dreg:$0x3];
	s4 =	simm.s32 $0x0;
	s5 =	stileid.u32  }
0x5: {  	[smem:$0x7FF] =	sst s4;
	s1 =	sadd.s32 s5, s1  }
0x6: {  	s30 =	simm.s32 $0x2;
	_ =	strace $0x80000047;
	s1 =	sadd.s32 $0x8200, s1  }
0x7: {  	[tilespmem:s4], [sflag:$0x2] =	stream.linear.gather [hbm4b:s1+s4], $0x8, $0x38;
	[tilespmem:$0x108] =	vst v63  }
0x8: {  	_ =	swait.ge [sflag:s30], $0x8  }
0x9: {  	[sflag:s30] =	ssyncset.done $0x0  }
0xa: {  	s6 =	simm.s32 $0x8;
	s31 =	simm.s32 $0x1;
	[sflag:s30] =	ssyncadd.s32 $0xFFFFFFF8  }
0xb: {  	[tilespmem:s6], [sflag:$0x1] =	stream.indirect.gather [hbm4b:s0+s6], $0x20, s4, s6, $0xb8;
	[tilespmem:$0x108] =	vst v63  }
0xc: {  	_ =	swait.ge [sflag:s31], $0x100  }
0xd: {  	s7 =	sshll.u32 s5, $0x5;
	[sflag:s31] =	ssyncset.done $0x0  }
0xe: {  	s2 =	sadd.s32 s2, s7;
	[sflag:s31] =	ssyncadd.s32 $0xFFFFFF00  }
0xf: {  	[hbm4b:s2+s4] =	stream.linear.scatter [tilespmem:s6], [sflag:$0x2], $0x100, $0x38;
	[tilespmem:$0x108] =	vst v63  }
0x10: {  	_ =	swait.ge [sflag:s30], $0x100  }
0x11: {  	[sflag:s30] =	ssyncset.done $0x0  }
0x12: {  	[sflag:s30] =	ssyncadd.s32 $0xFFFFFF00  }
0x13: {  	_ =	sfence.sel $0x180000  }
0x14: {  	[bflag:$0x0] =	sbarrier.arrive $0xFFFF  }
0x15: {  	p0 =	sne.s32 s5, $0x0;
	_ =	strace $0x90000047  }
0x16: {  	s0 =	sadd.s32 @!p0 $0x100000, s3;
	[bflag:$0x2] =	sbarrier.arrive $0xFFFF  }
0x17: {  	[sflag:s0] =	ssyncadd.tile.s32 @!p0 $0x1;
	_ =	shalt  }
.Lfunc_end2:
_tile_overlayer_lowered:
.L_overlay_start_2:
0x18: {  	(tag) =	ssettag $0x2  }
0x19: {  	s0 =	rddreg [dreg:$0x0];
	s2 =	stileid.u32  }
0x1a: {  	s1 =	rddreg [dreg:$0x1];
	p0 =	sne.s32 s2, $0x0  }
0x1b: {  	s3 =	rddreg [dreg:$0x2];
	[bflag:$0x3] =	sbarrier.arrive $0xFFFF;
	s2 =	simm.s32 @!p0 $0x1C02  }
0x1c: {  	[timem:s3], [sflag:s2] =	dma.local @!p0 [hbm:s0], s1  }
0x1d: {  	s0 =	simm.s32 @!p0 $0x2  }
0x1e: {  	_ =	swait.ge @!p0 [sflag:s0], s1  }
0x1f: {  	s1 =	ssub.s32 @!p0 $0x0, s1;
	[sflag:s0] =	ssyncset.done @!p0 $0x0  }
0x20: {  	[sflag:s0] =	ssyncadd.s32 @!p0 s1  }
0x21: {  	[bflag:$0x3] =	sbarrier.arrive $0xFFFF  }
0x22: {  	_ =	shalt  }

</sc_bundles>
